<compile_context>
chip_gen: v7x
topology: tpu7x:2x2x1
jax: 0.10.2.dev20260603
libtpu: 0.0.44.dev20260713+nightly
codegen_flags: <defaults>
</compile_context>

<pallas_src>
import functools

import jax
import jax.numpy as jnp
from jax import lax
from jax.experimental import pallas as pl
from jax.experimental.pallas import tpu as pltpu, tpu_sc as plsc

_C = 10
_L = 16
_P = 80


def _permute(v, idx):
    return lax.gather(
        v,
        idx[:, None],
        lax.GatherDimensionNumbers(
            offset_dims=(), collapsed_slice_dims=(0,), start_index_map=(0,)
        ),
        slice_sizes=(1,),
        mode=lax.GatherScatterMode.PROMISE_IN_BOUNDS,
    )


@functools.lru_cache(maxsize=None)
def _build(batch: int):
    n = batch * _C
    assert n % _P == 0
    n_workers = n // _P
    assert n_workers <= 32

    def body(w_hbm, out_hbm, w_v, buf_v):
        wid = lax.axis_index("s")

        @pl.when(wid < n_workers)
        def _():
            pltpu.sync_copy(w_hbm, w_v.at[pl.ds(0, _C)])
            wv = w_v[:]
            lane = lax.iota(jnp.int32, _L)
            valid = lane < _C
            wm = jnp.where(valid, wv, jnp.full((_L,), -jnp.inf, jnp.float32))
            wmax = wm
            for s in (8, 4, 2, 1):
                wmax = jnp.maximum(wmax, _permute(wmax, lane ^ s))
            hit = jnp.logical_and(wm == wmax, valid)
            cand = jnp.where(hit, lane, jnp.full((_L,), _L, jnp.int32))
            for s in (8, 4, 2, 1):
                cand = jnp.minimum(cand, _permute(cand, lane ^ s))
            idx = cand

            ones = jnp.ones((_L,), jnp.float32)
            zeros = jnp.zeros((_L,), jnp.float32)
            for j in range(_P // _L):
                col = lax.rem(lane + j * _L, _C)
                buf_v[pl.ds(j * _L, _L)] = jnp.where(col == idx, ones, zeros)
            pltpu.sync_copy(buf_v, out_hbm.at[pl.ds(wid * _P, _P)])

    return pl.kernel(
        body,
        mesh=plsc.VectorSubcoreMesh(
            core_axis_name="c", subcore_axis_name="s", num_cores=1
        ),
        out_type=jax.ShapeDtypeStruct((n,), jnp.float32),
        compiler_params=pltpu.CompilerParams(skip_device_barrier=True),
        scratch_types=[
            pltpu.VMEM((_L,), jnp.float32),
            pltpu.VMEM((_P,), jnp.float32),
        ],
    )


def kernel(x, w):
    flat = _build(x.shape[0])(w.astype(jnp.float32))
    return flat.reshape(x.shape[0], _C)

# --- scband reference (transcript-rebuilt; emitter-appended) ---
"""Pipeline reference for scband-baseline-classifier-34093450396051 (READ-ONLY COPY).

The authoritative reference and input builder live on the scoring server;
editing this copy changes nothing except your own understanding.
"""

import jax, jax.numpy as jnp
import numpy as np

def setup_inputs(seed: int = 0) -> dict:
    key = jax.random.key(seed)
    x = jax.random.normal(key, (128, 32768), dtype=jnp.float32)
    # module state: self.w = torch.zeros(10)
    w = jnp.zeros((10,), dtype=jnp.float32)
    return {"x": x, "w": w}

def reference(x, w):
    idx = jnp.argmax(w)
    pred_y = jnp.zeros((x.shape[0], 10), dtype=jnp.float32)
    pred_y = pred_y.at[:, idx].set(1.0)
    return pred_y

if __name__ == "__main__":
    import jax
    _d = setup_inputs()
    print(jax.jit(kernel)(*tuple(_d.values())))

</pallas_src>

<mosaic_0001>
#map = affine_map<(d0, d1) -> (0)>
module attributes {stable_mosaic.version = 14 : i64} {
  func.func @body(%arg0: i32, %arg1: i32, %arg2: memref<10xf32, #tpu.memory_space<hbm>>, %arg3: memref<1280xf32, #tpu.memory_space<hbm>>, %arg4: memref<16xf32, #tpu.memory_space<vmem>>, %arg5: memref<80xf32, #tpu.memory_space<vmem>>) attributes {dimension_semantics = [#tpu.dimension_semantics<core_parallel>, #tpu.dimension_semantics<subcore_parallel>], iteration_bounds = array<i64: 1, 16>, scalar_prefetch = 0 : i64, scratch_operands = 2 : i64, tpu.core_type = #tpu.core_type<sc_vector_subcore>, window_params = [{transform_indices = #map}, {transform_indices = #map}]} {
    %lt3A = arith.constant 16 : i32
    %lt3A_0 = arith.cmpi slt, %arg1, %lt3A : i32
    %convert_element_type3A = arith.extui %lt3A_0 : i1 to i32
    %cond3A = arith.constant 0 : i32
    %cond3A_1 = arith.cmpi ne, %convert_element_type3A, %cond3A : i32
    scf.if %cond3A_1 {
      "tpu.region"() ({
        %run_scoped3A = tpu.sem_alloc : memref<!tpu.dma_semaphore, #tpu.memory_space<semaphore_mem>>
        %dma_start3A = arith.constant 0 : i32
        %dma_start3A_125 = tpu.memref_slice %arg4[%dma_start3A] : memref<16xf32, #tpu.memory_space<vmem>> -> memref<10xf32, #tpu.memory_space<vmem>>
        %dma_start3A_126 = arith.constant 0 : i32
        %dma_start3A_127 = tpu.memref_slice %arg4[%dma_start3A_126] : memref<16xf32, #tpu.memory_space<vmem>> -> memref<10xf32, #tpu.memory_space<vmem>>
        tpu.enqueue_dma source(%arg2 : memref<10xf32, #tpu.memory_space<hbm>>) target(%dma_start3A_127 : memref<10xf32, #tpu.memory_space<vmem>>) target_semaphore(%run_scoped3A : memref<!tpu.dma_semaphore, #tpu.memory_space<semaphore_mem>>)
        %dma_wait3A = arith.constant 0 : i32
        %dma_wait3A_128 = tpu.memref_slice %arg4[%dma_wait3A] : memref<16xf32, #tpu.memory_space<vmem>> -> memref<10xf32, #tpu.memory_space<vmem>>
        %dma_wait3A_129 = arith.constant 0 : i32
        %dma_wait3A_130 = tpu.memref_slice %arg4[%dma_wait3A_129] : memref<16xf32, #tpu.memory_space<vmem>> -> memref<10xf32, #tpu.memory_space<vmem>>
        tpu.wait_dma2 semaphore(%run_scoped3A : memref<!tpu.dma_semaphore, #tpu.memory_space<semaphore_mem>>) src(%arg2 : memref<10xf32, #tpu.memory_space<hbm>>) dst(%dma_wait3A_130 : memref<10xf32, #tpu.memory_space<vmem>>)
        tpu.yield
      }) : () -> ()
      %get3A = arith.constant 0 : index
      %get3A_2 = tpu.vector_load %arg4[%get3A] {strides = array<i32>} : memref<16xf32, #tpu.memory_space<vmem>>, vector<16xf32>,
      %get3A_3 = vector.shape_cast %get3A_2 : vector<16xf32> to vector<16xf32>
      %iota3A = tpu.iota {dimensions = array<i32: 0>} : vector<16xi32>
      %lt3A_4 = arith.constant 10 : i32
      %lt3A_5 = vector.broadcast %lt3A_4 : i32 to vector<16xi32>
      %lt3A_6 = arith.cmpi slt, %iota3A, %lt3A_5 : vector<16xi32>
      %broadcast_in_dim3A = arith.constant 0xFF800000 : f32
      %broadcast_in_dim3A_7 = vector.broadcast %broadcast_in_dim3A : f32 to vector<16xf32>
      %select_n3A = arith.select %lt3A_6, %get3A_3, %broadcast_in_dim3A_7 : vector<16xi1>, vector<16xf32>
      %xor3A = arith.constant 8 : i32
      %xor3A_8 = vector.broadcast %xor3A : i32 to vector<16xi32>
      %xor3A_9 = arith.xori %iota3A, %xor3A_8 : vector<16xi32>
      %broadcast_in_dim3A_10 = vector.shape_cast %xor3A_9 : vector<16xi32> to vector<16x1xi32>
      %gather3A = vector.shape_cast %broadcast_in_dim3A_10 : vector<16x1xi32> to vector<16xi32>
      %gather3A_11 = tpu.dynamic_gather %select_n3A[%gather3A] in [0] : vector<16xf32>, vector<16xi32> -> vector<16xf32>
      %max3A = arith.maximumf %select_n3A, %gather3A_11 : vector<16xf32>
      %xor3A_12 = arith.constant 4 : i32
      %xor3A_13 = vector.broadcast %xor3A_12 : i32 to vector<16xi32>
      %xor3A_14 = arith.xori %iota3A, %xor3A_13 : vector<16xi32>
      %broadcast_in_dim3A_15 = vector.shape_cast %xor3A_14 : vector<16xi32> to vector<16x1xi32>
      %gather3A_16 = vector.shape_cast %broadcast_in_dim3A_15 : vector<16x1xi32> to vector<16xi32>
      %gather3A_17 = tpu.dynamic_gather %max3A[%gather3A_16] in [0] : vector<16xf32>, vector<16xi32> -> vector<16xf32>
      %max3A_18 = arith.maximumf %max3A, %gather3A_17 : vector<16xf32>
      %xor3A_19 = arith.constant 2 : i32
      %xor3A_20 = vector.broadcast %xor3A_19 : i32 to vector<16xi32>
      %xor3A_21 = arith.xori %iota3A, %xor3A_20 : vector<16xi32>
      %broadcast_in_dim3A_22 = vector.shape_cast %xor3A_21 : vector<16xi32> to vector<16x1xi32>
      %gather3A_23 = vector.shape_cast %broadcast_in_dim3A_22 : vector<16x1xi32> to vector<16xi32>
      %gather3A_24 = tpu.dynamic_gather %max3A_18[%gather3A_23] in [0] : vector<16xf32>, vector<16xi32> -> vector<16xf32>
      %max3A_25 = arith.maximumf %max3A_18, %gather3A_24 : vector<16xf32>
      %xor3A_26 = arith.constant 1 : i32
      %xor3A_27 = vector.broadcast %xor3A_26 : i32 to vector<16xi32>
      %xor3A_28 = arith.xori %iota3A, %xor3A_27 : vector<16xi32>
      %broadcast_in_dim3A_29 = vector.shape_cast %xor3A_28 : vector<16xi32> to vector<16x1xi32>
      %gather3A_30 = vector.shape_cast %broadcast_in_dim3A_29 : vector<16x1xi32> to vector<16xi32>
      %gather3A_31 = tpu.dynamic_gather %max3A_25[%gather3A_30] in [0] : vector<16xf32>, vector<16xi32> -> vector<16xf32>
      %max3A_32 = arith.maximumf %max3A_25, %gather3A_31 : vector<16xf32>
      %eq3A = arith.cmpf oeq, %select_n3A, %max3A_32 : vector<16xf32>
      %and3A = arith.andi %eq3A, %lt3A_6 : vector<16xi1>
      %broadcast_in_dim3A_33 = arith.constant 16 : i32
      %broadcast_in_dim3A_34 = vector.broadcast %broadcast_in_dim3A_33 : i32 to vector<16xi32>
      %select_n3A_35 = arith.select %and3A, %iota3A, %broadcast_in_dim3A_34 : vector<16xi1>, vector<16xi32>
      %xor3A_36 = arith.constant 8 : i32
      %xor3A_37 = vector.broadcast %xor3A_36 : i32 to vector<16xi32>
      %xor3A_38 = arith.xori %iota3A, %xor3A_37 : vector<16xi32>
      %broadcast_in_dim3A_39 = vector.shape_cast %xor3A_38 : vector<16xi32> to vector<16x1xi32>
      %gather3A_40 = vector.shape_cast %broadcast_in_dim3A_39 : vector<16x1xi32> to vector<16xi32>
      %gather3A_41 = tpu.dynamic_gather %select_n3A_35[%gather3A_40] in [0] : vector<16xi32>, vector<16xi32> -> vector<16xi32>
      %min3A = arith.minsi %select_n3A_35, %gather3A_41 : vector<16xi32>
      %xor3A_42 = arith.constant 4 : i32
      %xor3A_43 = vector.broadcast %xor3A_42 : i32 to vector<16xi32>
      %xor3A_44 = arith.xori %iota3A, %xor3A_43 : vector<16xi32>
      %broadcast_in_dim3A_45 = vector.shape_cast %xor3A_44 : vector<16xi32> to vector<16x1xi32>
      %gather3A_46 = vector.shape_cast %broadcast_in_dim3A_45 : vector<16x1xi32> to vector<16xi32>
      %gather3A_47 = tpu.dynamic_gather %min3A[%gather3A_46] in [0] : vector<16xi32>, vector<16xi32> -> vector<16xi32>
      %min3A_48 = arith.minsi %min3A, %gather3A_47 : vector<16xi32>
      %xor3A_49 = arith.constant 2 : i32
      %xor3A_50 = vector.broadcast %xor3A_49 : i32 to vector<16xi32>
      %xor3A_51 = arith.xori %iota3A, %xor3A_50 : vector<16xi32>
      %broadcast_in_dim3A_52 = vector.shape_cast %xor3A_51 : vector<16xi32> to vector<16x1xi32>
      %gather3A_53 = vector.shape_cast %broadcast_in_dim3A_52 : vector<16x1xi32> to vector<16xi32>
      %gather3A_54 = tpu.dynamic_gather %min3A_48[%gather3A_53] in [0] : vector<16xi32>, vector<16xi32> -> vector<16xi32>
      %min3A_55 = arith.minsi %min3A_48, %gather3A_54 : vector<16xi32>
      %xor3A_56 = arith.constant 1 : i32
      %xor3A_57 = vector.broadcast %xor3A_56 : i32 to vector<16xi32>
      %xor3A_58 = arith.xori %iota3A, %xor3A_57 : vector<16xi32>
      %broadcast_in_dim3A_59 = vector.shape_cast %xor3A_58 : vector<16xi32> to vector<16x1xi32>
      %gather3A_60 = vector.shape_cast %broadcast_in_dim3A_59 : vector<16x1xi32> to vector<16xi32>
      %gather3A_61 = tpu.dynamic_gather %min3A_55[%gather3A_60] in [0] : vector<16xi32>, vector<16xi32> -> vector<16xi32>
      %min3A_62 = arith.minsi %min3A_55, %gather3A_61 : vector<16xi32>
      %broadcast_in_dim3A_63 = arith.constant 1.000000e+00 : f32
      %broadcast_in_dim3A_64 = vector.broadcast %broadcast_in_dim3A_63 : f32 to vector<16xf32>
      %broadcast_in_dim3A_65 = arith.constant 0.000000e+00 : f32
      %broadcast_in_dim3A_66 = vector.broadcast %broadcast_in_dim3A_65 : f32 to vector<16xf32>
      %add3A = arith.constant 0 : i32
      %add3A_67 = vector.broadcast %add3A : i32 to vector<16xi32>
      %add3A_68 = arith.addi %iota3A, %add3A_67 : vector<16xi32>
      %rem3A = arith.constant 10 : i32
      %rem3A_69 = vector.broadcast %rem3A : i32 to vector<16xi32>
      %rem3A_70 = arith.remsi %add3A_68, %rem3A_69 : vector<16xi32>
      %eq3A_71 = arith.cmpi eq, %rem3A_70, %min3A_62 : vector<16xi32>
      %select_n3A_72 = arith.select %eq3A_71, %broadcast_in_dim3A_64, %broadcast_in_dim3A_66 : vector<16xi1>, vector<16xf32>
      %swap3A = arith.constant 0 : index
      %swap3A_73 = tpu.vector_load %arg5[%swap3A] {strides = array<i32>} : memref<80xf32, #tpu.memory_space<vmem>>, vector<16xf32>,
      %swap3A_74 = vector.shape_cast %swap3A_73 : vector<16xf32> to vector<16xf32>
      %swap3A_75 = vector.shape_cast %select_n3A_72 : vector<16xf32> to vector<16xf32>
      tpu.vector_store %arg5[%swap3A], %swap3A_75 {strides = array<i32>} : memref<80xf32, #tpu.memory_space<vmem>>, vector<16xf32>,
      %add3A_76 = arith.constant 16 : i32
      %add3A_77 = vector.broadcast %add3A_76 : i32 to vector<16xi32>
      %add3A_78 = arith.addi %iota3A, %add3A_77 : vector<16xi32>
      %rem3A_79 = arith.constant 10 : i32
      %rem3A_80 = vector.broadcast %rem3A_79 : i32 to vector<16xi32>
      %rem3A_81 = arith.remsi %add3A_78, %rem3A_80 : vector<16xi32>
      %eq3A_82 = arith.cmpi eq, %rem3A_81, %min3A_62 : vector<16xi32>
      %select_n3A_83 = arith.select %eq3A_82, %broadcast_in_dim3A_64, %broadcast_in_dim3A_66 : vector<16xi1>, vector<16xf32>
      %swap3A_84 = arith.constant 16 : index
      %swap3A_85 = tpu.vector_load %arg5[%swap3A_84] {strides = array<i32>} : memref<80xf32, #tpu.memory_space<vmem>>, vector<16xf32>,
      %swap3A_86 = vector.shape_cast %swap3A_85 : vector<16xf32> to vector<16xf32>
      %swap3A_87 = vector.shape_cast %select_n3A_83 : vector<16xf32> to vector<16xf32>
      tpu.vector_store %arg5[%swap3A_84], %swap3A_87 {strides = array<i32>} : memref<80xf32, #tpu.memory_space<vmem>>, vector<16xf32>,
      %add3A_88 = arith.constant 32 : i32
      %add3A_89 = vector.broadcast %add3A_88 : i32 to vector<16xi32>
      %add3A_90 = arith.addi %iota3A, %add3A_89 : vector<16xi32>
      %rem3A_91 = arith.constant 10 : i32
      %rem3A_92 = vector.broadcast %rem3A_91 : i32 to vector<16xi32>
      %rem3A_93 = arith.remsi %add3A_90, %rem3A_92 : vector<16xi32>
      %eq3A_94 = arith.cmpi eq, %rem3A_93, %min3A_62 : vector<16xi32>
      %select_n3A_95 = arith.select %eq3A_94, %broadcast_in_dim3A_64, %broadcast_in_dim3A_66 : vector<16xi1>, vector<16xf32>
      %swap3A_96 = arith.constant 32 : index
      %swap3A_97 = tpu.vector_load %arg5[%swap3A_96] {strides = array<i32>} : memref<80xf32, #tpu.memory_space<vmem>>, vector<16xf32>,
      %swap3A_98 = vector.shape_cast %swap3A_97 : vector<16xf32> to vector<16xf32>
      %swap3A_99 = vector.shape_cast %select_n3A_95 : vector<16xf32> to vector<16xf32>
      tpu.vector_store %arg5[%swap3A_96], %swap3A_99 {strides = array<i32>} : memref<80xf32, #tpu.memory_space<vmem>>, vector<16xf32>,
      %add3A_100 = arith.constant 48 : i32
      %add3A_101 = vector.broadcast %add3A_100 : i32 to vector<16xi32>
      %add3A_102 = arith.addi %iota3A, %add3A_101 : vector<16xi32>
      %rem3A_103 = arith.constant 10 : i32
      %rem3A_104 = vector.broadcast %rem3A_103 : i32 to vector<16xi32>
      %rem3A_105 = arith.remsi %add3A_102, %rem3A_104 : vector<16xi32>
      %eq3A_106 = arith.cmpi eq, %rem3A_105, %min3A_62 : vector<16xi32>
      %select_n3A_107 = arith.select %eq3A_106, %broadcast_in_dim3A_64, %broadcast_in_dim3A_66 : vector<16xi1>, vector<16xf32>
      %swap3A_108 = arith.constant 48 : index
      %swap3A_109 = tpu.vector_load %arg5[%swap3A_108] {strides = array<i32>} : memref<80xf32, #tpu.memory_space<vmem>>, vector<16xf32>,
      %swap3A_110 = vector.shape_cast %swap3A_109 : vector<16xf32> to vector<16xf32>
      %swap3A_111 = vector.shape_cast %select_n3A_107 : vector<16xf32> to vector<16xf32>
      tpu.vector_store %arg5[%swap3A_108], %swap3A_111 {strides = array<i32>} : memref<80xf32, #tpu.memory_space<vmem>>, vector<16xf32>,
      %add3A_112 = arith.constant 64 : i32
      %add3A_113 = vector.broadcast %add3A_112 : i32 to vector<16xi32>
      %add3A_114 = arith.addi %iota3A, %add3A_113 : vector<16xi32>
      %rem3A_115 = arith.constant 10 : i32
      %rem3A_116 = vector.broadcast %rem3A_115 : i32 to vector<16xi32>
      %rem3A_117 = arith.remsi %add3A_114, %rem3A_116 : vector<16xi32>
      %eq3A_118 = arith.cmpi eq, %rem3A_117, %min3A_62 : vector<16xi32>
      %select_n3A_119 = arith.select %eq3A_118, %broadcast_in_dim3A_64, %broadcast_in_dim3A_66 : vector<16xi1>, vector<16xf32>
      %swap3A_120 = arith.constant 64 : index
      %swap3A_121 = tpu.vector_load %arg5[%swap3A_120] {strides = array<i32>} : memref<80xf32, #tpu.memory_space<vmem>>, vector<16xf32>,
      %swap3A_122 = vector.shape_cast %swap3A_121 : vector<16xf32> to vector<16xf32>
      %swap3A_123 = vector.shape_cast %select_n3A_119 : vector<16xf32> to vector<16xf32>
      tpu.vector_store %arg5[%swap3A_120], %swap3A_123 {strides = array<i32>} : memref<80xf32, #tpu.memory_space<vmem>>, vector<16xf32>,
      %mul3A = arith.constant 80 : i32
      %mul3A_124 = arith.muli %arg1, %mul3A : i32
      "tpu.region"() ({
        %run_scoped3A = tpu.sem_alloc : memref<!tpu.dma_semaphore, #tpu.memory_space<semaphore_mem>>
        %dma_start3A = tpu.memref_slice %arg3[%mul3A_124] : memref<1280xf32, #tpu.memory_space<hbm>> -> memref<80xf32, #tpu.memory_space<hbm>>
        %dma_start3A_125 = tpu.memref_slice %arg3[%mul3A_124] : memref<1280xf32, #tpu.memory_space<hbm>> -> memref<80xf32, #tpu.memory_space<hbm>>
        tpu.enqueue_dma source(%arg5 : memref<80xf32, #tpu.memory_space<vmem>>) target(%dma_start3A_125 : memref<80xf32, #tpu.memory_space<hbm>>) target_semaphore(%run_scoped3A : memref<!tpu.dma_semaphore, #tpu.memory_space<semaphore_mem>>)
        %dma_wait3A = tpu.memref_slice %arg3[%mul3A_124] : memref<1280xf32, #tpu.memory_space<hbm>> -> memref<80xf32, #tpu.memory_space<hbm>>
        %dma_wait3A_126 = tpu.memref_slice %arg3[%mul3A_124] : memref<1280xf32, #tpu.memory_space<hbm>> -> memref<80xf32, #tpu.memory_space<hbm>>
        tpu.wait_dma2 semaphore(%run_scoped3A : memref<!tpu.dma_semaphore, #tpu.memory_space<semaphore_mem>>) src(%arg5 : memref<80xf32, #tpu.memory_space<vmem>>) dst(%dma_wait3A_126 : memref<80xf32, #tpu.memory_space<hbm>>)
        tpu.yield
      }) : () -> ()
    } else {
    }
    return
  }
}

</mosaic_0001>

<sc_bundles>
// kernel: kernel.3.cloned.1.call-start
scs
__scs_entry_jumppad:
0x0: {  	(pc) =	sbr.rel $0x88, $3  }
0x1: {  	(tag) =	ssettag $0x0;
	lr =	simm.s32 $0x1  }
0x2: {  	[smem:$0x3FA0] =	sst lr;
	_ =	strace $0xD0000000  }
0x3: {  	_ = 	snop  }
0x4: {  	_ = 	snop  }
0x5: {  	_ = 	snop  }
0x6: {  	_ = 	snop  }
0x7: {  	_ = 	snop  }
__scs_overlays_trampoline_lowered:
0x8: {  	[smem:$0x3FAF] =	sst s0  }
0x9: {  	[smem:$0x3FB0] =	sst s1  }
0xa: {  	[smem:$0x3FB1] =	sst s2  }
0xb: {  	[smem:$0x3FB2] =	sst s3  }
0xc: {  	[smem:$0x3FB3] =	sst s4  }
0xd: {  	[smem:$0x3FB4] =	sst s5  }
0xe: {  	[smem:$0x3FB5] =	sst s6  }
0xf: {  	[smem:$0x3FB6] =	sst s7  }
0x10: {  	[smem:$0x3FB7] =	sst s8  }
0x11: {  	[smem:$0x3FB8] =	sst s9;
	s0 =	simm.s32 @!p0 $0x0  }
0x12: {  	s1 =	sld [smem:$0x3F9E];
	s0 =	simm.s32 @p0 $0x1  }
0x13: {  	[smem:$0x3FB9] =	sst s0;
	s0 =	simm.s32 @!p1 $0x0  }
0x14: {  	s2 =	sld [smem:$0x3F9D];
	s0 =	simm.s32 @p1 $0x1  }
0x15: {  	[smem:$0x3FBA] =	sst s0;
	s0 =	simm.s32 @!p2 $0x0  }
0x16: {  	s3 =	sld [smem:$0x3FDB];
	s0 =	simm.s32 @p2 $0x1  }
0x17: {  	s4 =	simm.s32 $0x1BF5;
	[smem:$0x3FBC] =	sst s0  }
0x18: {  	s0 =	sld [smem:$0x3F9F];
	_ =	swait.ge [sflag:s4], $0x0  }
0x19: {  	s7 =	sld [smem:$0x3FA0]  }
0x1a: {  	s8 =	sadd.s32 $0xFFFFE003, lr  }
0x1b: {  	s9 =	sadd.s32 $0xFFFFFEF7, lr;
	s5 =	simm.s32 $0xFFFFFFFF;
	p2 =	slt.u32 s8, $0xFFFFF086  }
0x1c: {  	p1 =	slt.u32 s9, $0xF7A;
	s5 =	simm.s32 @!p2 $0x0  }
0x1d: {  	s5 =	simm.s32 @p1 $0x1;
	p0 =	seq.s32 s7, s2  }
0x1e: {  	s7 =	smul.u32 @!p0 $0xF7A, s2;
	p2 =	seq.s32 @!p0 s5, $0x0  }
0x1f: {  	s9 =	smul.u32 $0xF7A, s1;
	s8 =	simm.s32 @!p0 $0x1BF5;
	p2 =	por !p2, p0  }
0x20: {  	[sflag:s8] =	ssyncset.s32 @!p0 $0xFFFFF086;
	s6 =	sadd.s32 @!p0 s3, s7;
	s7 =	simm.s32 @!p0 $0x108  }
0x21: {  	s3 =	sadd.s32 s3, s9;
	s6 =	sadd.s32 @!p0 $0x88, s6;
	s7 =	simm.s32 @p2 $0x1082  }
0x22: {  	[simem:s7], [sflag:s8] =	dma.local @!p0 [hbm:s6], $0xF7A  }
0x23: {  	s9 =	sor.u32 $0xD0000000, s2;
	s6 =	simm.s32 $0x108;
	_ =	swait.ge @!p0 [sflag:s8], $0x0  }
0x24: {  	s3 =	sadd.s32 $0x88, s3;
	s6 =	simm.s32 @!p1 $0x1082;
	[sflag:s4] =	ssyncset.s32 $0xFFFFF086  }
0x25: {  	[simem:s6], [sflag:s4] =	dma.local [hbm:s3], $0xF7A  }
0x26: {  	[smem:$0x3FA0] =	sst s1;
	(tag) =	ssettag s2;
	_ =	strace s9  }
0x27: {  	s1 =	sld [smem:$0x3FB0]  }
0x28: {  	s2 =	sld [smem:$0x3FB1]  }
0x29: {  	s4 =	sld [smem:$0x3FB3]  }
0x2a: {  	p0 =	seq.s32 s5, $0x0;
	s5 =	sld [smem:$0x3FB4]  }
0x2b: {  	s6 =	sld [smem:$0x3FB5]  }
0x2c: {  	s7 =	sld [smem:$0x3FB6]  }
0x2d: {  	s3 =	simm.s32 $0x108;
	s8 =	sld [smem:$0x3FB7]  }
0x2e: {  	s3 =	simm.s32 @!p0 $0x1082;
	s9 =	sld [smem:$0x3FB8]  }
0x2f: {  	lr =	sadd.s32 s0, s3;
	s0 =	sld [smem:$0x3FAF]  }
0x30: {  	s3 =	sld [smem:$0x3FB2]  }
0x31: {  	[smem:$0x3FBB] =	sst s10  }
0x32: {  	s10 =	sld [smem:$0x3FB9];
	_ =	sdelay $0x3  }
0x33: {  	p0 =	seq.s32 s10, $0x1;
	s10 =	sld [smem:$0x3FBB];
	_ =	sdelay $0x3  }
0x34: {  	[smem:$0x3FBB] =	sst s10  }
0x35: {  	s10 =	sld [smem:$0x3FBA];
	_ =	sdelay $0x3  }
0x36: {  	p1 =	seq.s32 s10, $0x1;
	s10 =	sld [smem:$0x3FBB];
	_ =	sdelay $0x3  }
0x37: {  	[smem:$0x3FBB] =	sst s10  }
0x38: {  	s10 =	sld [smem:$0x3FBC]  }
0x39: {  	_ = 	snop;
	(pc) =	sbr.ind lr, $3  }
0x3a: {  	_ = 	snop  }
0x3b: {  	_ = 	snop  }
0x3c: {  	p2 =	seq.s32 s10, $0x1;
	s10 =	sld [smem:$0x3FBB]  }
0x3d: {  	_ =	shalt  }
0x3e: {  	_ =	shalt  }
0x3f: {  	_ =	shalt  }
0x40: {  	_ =	shalt  }
0x41: {  	_ =	shalt  }
0x42: {  	_ =	shalt  }
0x43: {  	_ =	shalt  }
0x44: {  	_ =	shalt  }
0x45: {  	_ =	shalt  }
0x46: {  	_ =	shalt  }
0x47: {  	_ =	shalt  }
0x48: {  	_ =	shalt  }
0x49: {  	_ =	shalt  }
0x4a: {  	_ =	shalt  }
0x4b: {  	_ =	shalt  }
0x4c: {  	_ =	shalt  }
0x4d: {  	_ =	shalt  }
0x4e: {  	_ =	shalt  }
0x4f: {  	_ =	shalt  }
0x50: {  	_ =	shalt  }
0x51: {  	_ =	shalt  }
0x52: {  	_ =	shalt  }
0x53: {  	_ =	shalt  }
0x54: {  	_ =	shalt  }
0x55: {  	_ =	shalt  }
0x56: {  	_ =	shalt  }
0x57: {  	_ =	shalt  }
0x58: {  	_ =	shalt  }
0x59: {  	_ =	shalt  }
0x5a: {  	_ =	shalt  }
0x5b: {  	_ =	shalt  }
0x5c: {  	_ =	shalt  }
0x5d: {  	_ =	shalt  }
0x5e: {  	_ =	shalt  }
0x5f: {  	_ =	shalt  }
0x60: {  	_ =	shalt  }
0x61: {  	_ =	shalt  }
0x62: {  	_ =	shalt  }
0x63: {  	_ =	shalt  }
0x64: {  	_ =	shalt  }
0x65: {  	_ =	shalt  }
0x66: {  	_ =	shalt  }
0x67: {  	_ =	shalt  }
0x68: {  	_ =	shalt  }
0x69: {  	_ =	shalt  }
0x6a: {  	_ =	shalt  }
0x6b: {  	_ =	shalt  }
0x6c: {  	_ =	shalt  }
0x6d: {  	_ =	shalt  }
0x6e: {  	_ =	shalt  }
0x6f: {  	_ =	shalt  }
0x70: {  	_ =	shalt  }
0x71: {  	_ =	shalt  }
0x72: {  	_ =	shalt  }
0x73: {  	_ =	shalt  }
0x74: {  	_ =	shalt  }
0x75: {  	_ =	shalt  }
0x76: {  	_ =	shalt  }
0x77: {  	_ =	shalt  }
0x78: {  	_ =	shalt  }
0x79: {  	_ =	shalt  }
0x7a: {  	_ =	shalt  }
0x7b: {  	_ =	shalt  }
0x7c: {  	_ =	shalt  }
0x7d: {  	_ =	shalt  }
0x7e: {  	_ =	shalt  }
0x7f: {  	_ =	shalt  }
0x80: {  	_ =	shalt  }
0x81: {  	_ =	shalt  }
0x82: {  	_ =	shalt  }
0x83: {  	_ =	shalt  }
0x84: {  	_ =	shalt  }
0x85: {  	_ =	shalt  }
0x86: {  	_ =	shalt  }
0x87: {  	_ =	shalt  }
.Lfunc_end0:
.L_simem_size_0:
called_computation_lowered:
.L_overlay_start_0:
0x88: {  	s0 =	sld [smem:$0x3FD9]  }
0x89: {  	s1 =	sld [smem:$0x3FFE];
	_ =	sdelay $0x3  }
0x8a: {  	s0 =	sadd.s32 s1, s0  }
0x8b: {  	[smem:$0x3FC7] =	sst s0  }
0x8c: {  	_ = 	snop  }
0x8d: {  	s0 =	sld [smem:$0x3FC9]  }
0x8e: {  	s17 =	sld [smem:$0x3FD0];
	(tm) =	ssettm $0x1  }
0x8f: {  	s2 =	sld [smem:$0x3FFB];
	_ =	sdelay $0x3  }
0x90: {  	_ =	strace s2  }
0x91: {  	s2 =	sld [smem:$0x3FFC];
	_ =	sdelay $0x3  }
0x92: {  	_ =	strace s2  }
0x93: {  	s2 =	sld [smem:$0x3FFD];
	_ =	sdelay $0x3  }
0x94: {  	_ =	strace s2  }
0x95: {  	_ =	strace $0x8FFFFFFF  }
0x96: {  	s18 =	sld [smem:$0x3FDB];
	_ =	sdelay $0x1  }
0x97: {  	s3 =	simm.s32 $_scs_section_size  }
0x98: {  	s4 =	simm.s32 $_size__tile_overlayer_lowered;
	s5 =	simm.s32 $_tile_overlayer_lowered  }
0x99: {  	s21 =	simm.s32 $0x1BFF;
	s20 =	sshll.u32 s5, $0x1;
	s2 =	sadd.s32 s3, s18  }
0x9a: {  	s6 =	simm.s32 $0x0;
	s19 =	sshll.u32 s4, $0x1;
	s4 =	sadd.s32 s20, s2  }
0x9b: {  	[timem:s6], [sflag:s21] =	dma.local [hbm:s4], s19  }
0x9c: {  	_ =	swait.ge [sflag:s21], s19  }
0x9d: {  	s3 =	ssub.s32 $0x0, s19;
	[sflag:s21] =	ssyncset.done $0x0  }
0x9e: {  	[sflag:s21] =	ssyncadd.s32 s3;
	_ =	sdelay $0x1  }
0x9f: {  	s22 =	simm.s32 $0x1B8B  }
0xa0: {  	_ =	swait.ge [sflag:s22], $0x1  }
0xa1: {  	[sflag:s22] =	ssyncset.done $0x0  }
0xa2: {  	s23 =	simm.s32 $0x1B8E;
	[sflag:s22] =	ssyncadd.s32 $0xFFFFFFFF  }
0xa3: {  	s24 =	simm.s32 $execute0_lowered;
	[smem:$0x3FD2] =	sst s23  }
0xa4: {  	s3 =	sshll.u32 s24, $0x1;
	_ =	strace $0x80000046;
	[dreg:$0x1] =	wrdreg $0xFFFFFFFF  }
0xa5: {  	s25 =	simm.s32 $_size_execute0_lowered;
	s2 =	sadd.s32 s2, s3;
	[dreg:$0x0] =	wrdreg $0x0  }
0xa6: {  	s3 =	sshll.u32 s25, $0x1;
	[dreg:$0x2] =	wrdreg s2  }
0xa7: {  	[dreg:$0x3] =	wrdreg s3  }
0xa8: {  	[dreg:$0x4] =	wrdreg $0xC0  }
0xa9: {  	_ =	task [dreg:s6], $0x5FFFF  }
0xaa: {  	[dreg:$0x1] =	wrdreg $0xFFFFFFFF  }
0xab: {  	[dreg:$0x0] =	wrdreg $0x60  }
0xac: {  	[dreg:$0x2] =	wrdreg s0  }
0xad: {  	[dreg:$0x3] =	wrdreg s17  }
0xae: {  	[dreg:$0x4] =	wrdreg $0x9  }
0xaf: {  	_ =	task.clear_ibuf [dreg:s6], $0x5FFFF;
	_ =	strace $0x90000046  }
0xb0: {  	s26 =	simm.s32 $0x9;
	_ =	strace $0x80000048  }
0xb1: {  	_ =	swait.ge [sflag:s26], $0x1  }
0xb2: {  	[sflag:s26] =	ssyncadd.s32 $0xFFFFFFFF  }
0xb3: {  	_ =	strace $0x90000048  }
0xb4: {  	_ =	sfence  }
0xb5: {  	s28 =	sld [smem:$0x0];
	_ =	sdelay $0x1  }
0xb6: {  	s29 =	srdreg.scid  }
0xb7: {  	s30 =	sshll.u32 s29, $0xD;
	s31 =	sshrl.u32 s29, $0x2  }
0xb8: {  	s1 =	sand.u32 $0x1, s29;
	s2 =	sand.u32 $0x4000, s30;
	s0 =	sadd.s32 s31, s28  }
0xb9: {  	s1 =	sor.u32 s2, s1;
	s0 =	sshll.u32 s0, $0x11  }
0xba: {  	s0 =	sor.u32 s0, s1  }
0xbb: {  	s0 =	sadd.s32 $0x8F2B, s0  }
0xbc: {  	[sflag:s0] =	ssyncadd.remote.s32 $0x1  }
0xbd: {  	_ =	sfence.sel $0xFFFF  }
0xbe: {  	[dreg:$0x0] =	wrdreg $0xFFFFFFFF;
	(pc) =	sbr.abs _section_cstart, $3  }
0xbf: {  	[dreg:$0x1] =	wrdreg $0xFFFFFFFF  }
0xc0: {  	_ =	task.clear_ibuf [dreg:s6], $0x2FFFF;
	_ =	strace $0x9FFFFFFF  }
0xc1: {  	(tm) =	ssettm $0x7FFFFFFF  }
tec
execute0_lowered:
.L_overlay_start_1:
0x0: {  	(tag) =	ssettag $0x1  }
0x1: {  	s3 =	rddreg [dreg:$0x0]  }
0x2: {  	s2 =	rddreg [dreg:$0x1];
	s1 =	simm.s32 $0x0  }
0x3: {  	[smem:$0x7FF] =	sst s1  }
0x4: {  	s0 =	rddreg [dreg:$0x2];
	s30 =	simm.s32 $0x1;
	_ =	strace $0x80000047  }
0x5: {  	[tilespmem:s1], [sflag:$0x1] =	stream.linear.gather [hbm4b:s3+s1], $0xA, $0x38;
	[tilespmem:$0x100] =	vst v63  }
0x6: {  	_ =	swait.ge [sflag:s30], $0xA  }
0x7: {  	v0 =	vimm.s32 $0xFEDCBA98;
	[sflag:s30] =	ssyncset.done $0x0  }
0x8: {  	v1 =	vimm.s32 $0x76543210;
	v0 =	vunpack.c.l.s4.s8 v0;
	[sflag:s30] =	ssyncadd.s32 $0xFFFFFFF6  }
0x9: {  	vm0 =	vmmov $0x3ff;
	v3 =	vimm.s32 $0xBA98FEDC;
	v1 =	vunpack.c.l.s4.s8 v1;
	v2 =	vld [tilespmem:$0x0]  }
0xa: {  	v4 =	vimm.s32 $0x32107654;
	v6 =	vimm.s32 $0xDCFE98BA;
	v0 =	vunpack.c.0.s8.s32 v0  }
0xb: {  	v3 =	vunpack.c.l.s4.s8 v3;
	v4 =	vunpack.c.l.s4.s8 v4;
	v1 =	vunpack.c.0.s8.s32 v1  }
0xc: {  	v7 =	vimm.s32 $0x54761032;
	v40 =	vimm.s32 $0xEFCDAB89;
	v0 =	vand.u32 $0xF, v0  }
0xd: {  	v3 =	vunpack.c.0.s8.s32 v3;
	v4 =	vunpack.c.0.s8.s32 v4;
	v0 =	vcombine.low v0, v1  }
0xe: {  	v6 =	vunpack.c.l.s4.s8 v6;
	v7 =	vunpack.c.l.s4.s8 v7;
	v2 =	vnsel vm0, $0xFF800000, v2  }
0xf: {  	v8 =	vimm.s32 $0x67452301;
	v3 =	vcombine.low v4, v3;
	v5 =	vperm.xlane v2, v0  }
0x10: {  	v8 =	vunpack.c.l.s4.s8 v8;
	v38 =	vunpack.c.0.s8.s32 v6;
	v39 =	vunpack.c.0.s8.s32 v7  }
0x11: {  	v7 =	vunpack.c.l.s4.s8 v40;
	v3 =	vand.u32 $0xF, v3;
	v5 =	vmax.f32 v2, v5  }
0x12: {  	v4 =	vcombine.low v39, v38;
	v9 =	vperm.xlane v5, v3  }
0x13: {  	v42 =	vunpack.c.0.s8.s32 v8;
	v41 =	vunpack.c.0.s8.s32 v7  }
0x14: {  	v4 =	vand.u32 $0xF, v4;
	v5 =	vmax.f32 v5, v9  }
0x15: {  	v6 =	vcombine.low v42, v41;
	v43 =	vperm.xlane v5, v4;
	_ =	sdelay $0x1  }
0x16: {  	v6 =	vand.u32 $0xF, v6;
	v5 =	vmax.f32 v5, v43  }
0x17: {  	v45 =	vimm.s32 $0x10100908;
	v44 =	vperm.xlane v5, v6  }
0x18: {  	vm9 =	vcmask $0x1F00;
	v8 =	vunpack.c.0.s8.s32 v45;
	v46 =	vand.u32 $0xF, v1  }
0x19: {  	vm10 =	vcmask $0x2F20;
	v47 =	vnsel vm9, $0x10, v46;
	v5 =	vmax.f32 v5, v44  }
0x1a: {  	v48 =	vsel vm10, v8, v47;
	vm1 =	veq.f32 v2, v5  }
0x1b: {  	v2 =	vnsel vm1, $0x10, v48  }
0x1c: {  	v0 =	vperm.xlane v2, v0;
	_ =	sdelay $0x1  }
0x1d: {  	vm11 =	vlt.s32 v2, v0  }
0x1e: {  	v0 =	vsel vm11, v2, v0  }
0x1f: {  	v2 =	vperm.xlane v0, v3;
	_ =	sdelay $0x1  }
0x20: {  	vm0 =	vlt.s32 v0, v2  }
0x21: {  	v49 =	vimm.s32 $0x54321098;
	v50 =	vimm.s32 $0x32109876;
	v0 =	vsel vm0, v0, v2  }
0x22: {  	v51 =	vimm.s32 $0x10987654;
	v3 =	vunpack.c.l.s4.s8 v49;
	v2 =	vperm.xlane v0, v4  }
0x23: {  	v5 =	vunpack.c.l.s4.s8 v51;
	v4 =	vunpack.c.l.s4.s8 v50  }
0x24: {  	v52 =	vimm.s32 $0x98765432;
	v3 =	vunpack.c.0.s8.s32 v3;
	vm0 =	vlt.s32 v0, v2  }
0x25: {  	v5 =	vunpack.c.0.s8.s32 v5;
	v4 =	vunpack.c.0.s8.s32 v4;
	v0 =	vsel vm0, v0, v2  }
0x26: {  	v53 =	vcombine.low v1, v3;
	v2 =	vperm.xlane v0, v6;
	v6 =	vunpack.c.l.s4.s8 v52  }
0x27: {  	v57 =	vimm.f32 $0.0e+00;
	v55 =	vcombine.low v4, v5;
	v3 =	vcombine.low v3, v4  }
0x28: {  	v54 =	vand.u32 $0xF, v53;
	vm0 =	vlt.s32 v0, v2;
	v6 =	vunpack.c.0.s8.s32 v6  }
0x29: {  	v7 =	vand.u32 $0xF, v55;
	v60 =	vand.u32 $0xF, v3;
	v0 =	vsel vm0, v0, v2  }
0x2a: {  	v56 =	vand.u32 $0xF, v6;
	vm0 =	veq.s32 v0, v54;
	vm12 =	veq.s32 v0, v7  }
0x2b: {  	v5 =	vcombine.low v5, v6;
	v1 =	vcombine.low v56, v1;
	v58 =	vsel vm0, $0x3F800000, v57  }
0x2c: {  	vm14 =	veq.s32 v0, v60;
	v59 =	vsel vm12, $0x3F800000, v57;
	[tilespmem:$0x80] =	vst v58  }
0x2d: {  	s4 =	stileid.u32;
	v63 =	vsel vm14, $0x3F800000, v57;
	[tilespmem:$0x90] =	vst v59;
	v62 =	vand.u32 $0xF, v5;
	vm13 =	veq.s32 v0, v1  }
0x2e: {  	s5 =	smul.u32 $0xA, s4;
	[tilespmem:$0xB0] =	vst v63;
	vm15 =	veq.s32 v0, v62;
	v61 =	vsel vm13, $0x3F800000, v57  }
0x2f: {  	v0 =	vsel vm15, $0x3F800000, v57;
	[tilespmem:$0xA0] =	vst v61  }
0x30: {  	s31 =	simm.s32 $0x80;
	s2 =	sadd.s32 s2, s5;
	[tilespmem:$0xC0] =	vst v0  }
0x31: {  	[hbm4b:s2+s1] =	stream.linear.scatter [tilespmem:s31], [sflag:$0x1], $0x50, $0x38;
	[tilespmem:$0x100] =	vst v63  }
0x32: {  	_ =	swait.ge [sflag:s30], $0x50  }
0x33: {  	[sflag:s30] =	ssyncset.done $0x0  }
0x34: {  	[sflag:s30] =	ssyncadd.s32 $0xFFFFFFB0  }
0x35: {  	_ =	sfence.sel $0x180000  }
0x36: {  	[bflag:$0x0] =	sbarrier.arrive $0xFFFF  }
0x37: {  	p0 =	sne.s32 s4, $0x0;
	_ =	strace $0x90000047  }
0x38: {  	s0 =	sadd.s32 @!p0 $0x100000, s0;
	[bflag:$0x2] =	sbarrier.arrive $0xFFFF  }
0x39: {  	[sflag:s0] =	ssyncadd.tile.s32 @!p0 $0x1;
	_ =	shalt  }
.Lfunc_end2:
_tile_overlayer_lowered:
.L_overlay_start_2:
0x3a: {  	(tag) =	ssettag $0x2  }
0x3b: {  	s0 =	rddreg [dreg:$0x0];
	s2 =	stileid.u32  }
0x3c: {  	s1 =	rddreg [dreg:$0x1];
	p0 =	sne.s32 s2, $0x0  }
0x3d: {  	s3 =	rddreg [dreg:$0x2];
	[bflag:$0x3] =	sbarrier.arrive $0xFFFF;
	s2 =	simm.s32 @!p0 $0x1C01  }
0x3e: {  	[timem:s3], [sflag:s2] =	dma.local @!p0 [hbm:s0], s1  }
0x3f: {  	s0 =	simm.s32 @!p0 $0x1  }
0x40: {  	_ =	swait.ge @!p0 [sflag:s0], s1  }
0x41: {  	s1 =	ssub.s32 @!p0 $0x0, s1;
	[sflag:s0] =	ssyncset.done @!p0 $0x0  }
0x42: {  	[sflag:s0] =	ssyncadd.s32 @!p0 s1  }
0x43: {  	[bflag:$0x3] =	sbarrier.arrive $0xFFFF  }
0x44: {  	_ =	shalt  }

</sc_bundles>
